<compile_context>
chip_gen: v7x
topology: tpu7x:2x2x1
jax: 0.10.2.dev20260603
libtpu: 0.0.44.dev20260713+nightly
codegen_flags: <defaults>
</compile_context>

<pallas_src>
import functools

import jax
import jax.numpy as jnp
from jax import lax
from jax.experimental import pallas as pl
from jax.experimental.pallas import tpu as pltpu
from jax.experimental.pallas import tpu_sc as plsc

OUT_DIM = 4096
N_BITS = 2048
LANES = 16
N_CHUNKS = N_BITS // LANES


@functools.partial(
    pl.kernel,
    out_type=(
        jax.ShapeDtypeStruct((OUT_DIM,), jnp.float32),
        jax.ShapeDtypeStruct((OUT_DIM,), jnp.float32),
    ),
    mesh=plsc.VectorSubcoreMesh(core_axis_name="c", subcore_axis_name="s",
                                num_cores=1),
    scratch_types=[
        pltpu.VMEM((N_BITS,), jnp.int32),
        pltpu.VMEM((N_BITS,), jnp.int32),
        pltpu.VMEM((OUT_DIM,), jnp.float32),
        pltpu.SemaphoreType.DMA,
        pltpu.SemaphoreType.DMA,
        pltpu.SemaphoreType.DMA,
    ],
    compiler_params=pltpu.CompilerParams(needs_layout_passes=False, skip_device_barrier=True),
)
def _scatter_row(base_hbm, pos_hbm, sign_hbm, out0_hbm, out1_hbm,
                 pos_v, sign_v, row_v, sem0, sem1, sem2):
    cid = lax.axis_index("c")
    sid = lax.axis_index("s")

    @pl.when(jnp.logical_and(cid == 0, sid == 0))
    def _():
        c0 = pltpu.async_copy(base_hbm, row_v, sem0)
        c1 = pltpu.async_copy(pos_hbm, pos_v, sem1)
        c2 = pltpu.async_copy(sign_hbm, sign_v, sem2)
        c0.wait()
        c1.wait()
        c2.wait()

        ones = jnp.full((LANES,), 1.0, jnp.float32)
        neg_ones = jnp.full((LANES,), -1.0, jnp.float32)

        @plsc.parallel_loop(0, N_BITS, step=LANES, unroll=4)
        def pos_pass(i):
            p = pos_v[pl.ds(i, LANES)]
            s = sign_v[pl.ds(i, LANES)]
            plsc.store_scatter(row_v, [p], ones, mask=s == 1)

        @plsc.parallel_loop(0, N_BITS, step=LANES, unroll=4)
        def neg_pass(i):
            p = pos_v[pl.ds(i, LANES)]
            s = sign_v[pl.ds(i, LANES)]
            plsc.store_scatter(row_v, [p], neg_ones, mask=s != 1)

        d0 = pltpu.async_copy(row_v, out0_hbm, sem0)
        d1 = pltpu.async_copy(row_v, out1_hbm, sem1)
        d0.wait()
        d1.wait()


def kernel(on_bits, n_cols):
    on_bits = on_bits.astype(jnp.int32)
    positions = on_bits[:, 0]
    signs = on_bits[:, 1]
    col = jnp.arange(OUT_DIM, dtype=jnp.int32)
    base = jnp.where(col < n_cols, 0.0, -10.0).astype(jnp.float32)
    h0, h1 = _scatter_row(base, positions, signs)
    return (h0[None, :], h1[None, :])

# --- scband reference (transcript-rebuilt; emitter-appended) ---
"""Pipeline reference for scband-bits-rep-net-48249662603981 (READ-ONLY COPY).

The authoritative reference and input builder live on the scoring server;
editing this copy changes nothing except your own understanding.
"""

import jax, jax.numpy as jnp
import numpy as np

OUT_DIM = 4096
N_BITS = 2048

def setup_inputs(seed: int = 0) -> dict:
    key = jax.random.key(seed)
    k1, k2 = jax.random.split(key)
    positions = jax.random.randint(k1, (N_BITS,), 0, OUT_DIM)
    signs = jax.random.randint(k2, (N_BITS,), 0, 2) * 2 - 1  # values in {-1, +1}
    on_bits = jnp.stack([positions, signs], axis=1)
    return {"on_bits": on_bits, "n_cols": OUT_DIM}

def reference(on_bits, n_cols):
    # Faithful translation of BitsRepNet.forward:
    #   h = ones(1, out_dim) * -10 ; h[0, :n_cols] = 0
    #   h[0, pos_bit_pos] = 1.0 ; h[0, neg_bit_pos] = -1.0 ; return (h, h)
    positions = on_bits[:, 0]
    signs = on_bits[:, 1]
    col = jnp.arange(OUT_DIM)
    h = jnp.where(col < n_cols, 0.0, -10.0).astype(jnp.float32)[None, :]
    pos_idx = jnp.where(signs == 1, positions, OUT_DIM)
    neg_idx = jnp.where(signs == -1, positions, OUT_DIM)
    h = h.at[0, pos_idx].set(1.0, mode='drop')
    h = h.at[0, neg_idx].set(-1.0, mode='drop')
    return (h, h)

if __name__ == "__main__":
    import jax
    _d = setup_inputs()
    print(jax.jit(kernel)(*tuple(_d.values())))

</pallas_src>

<mosaic_0001>
#map = affine_map<(d0, d1) -> (0)>
module attributes {stable_mosaic.version = 14 : i64} {
  func.func @_scatter_row(%arg0: i32, %arg1: i32, %arg2: memref<4096xf32, #tpu.memory_space<hbm>>, %arg3: memref<2048xi32, #tpu.memory_space<hbm>>, %arg4: memref<2048xi32, #tpu.memory_space<hbm>>, %arg5: memref<4096xf32, #tpu.memory_space<hbm>>, %arg6: memref<4096xf32, #tpu.memory_space<hbm>>, %arg7: memref<2048xi32, #tpu.memory_space<vmem>>, %arg8: memref<2048xi32, #tpu.memory_space<vmem>>, %arg9: memref<4096xf32, #tpu.memory_space<vmem>>, %arg10: memref<!tpu.dma_semaphore, #tpu.memory_space<semaphore_mem>>, %arg11: memref<!tpu.dma_semaphore, #tpu.memory_space<semaphore_mem>>, %arg12: memref<!tpu.dma_semaphore, #tpu.memory_space<semaphore_mem>>) attributes {dimension_semantics = [#tpu.dimension_semantics<core_parallel>, #tpu.dimension_semantics<subcore_parallel>], iteration_bounds = array<i64: 1, 16>, scalar_prefetch = 0 : i64, scratch_operands = 6 : i64, tpu.core_type = #tpu.core_type<sc_vector_subcore>, window_params = [{transform_indices = #map}, {transform_indices = #map}, {transform_indices = #map}, {transform_indices = #map}, {transform_indices = #map}]} {
    %eq3A = arith.constant 0 : i32
    %eq3A_0 = arith.cmpi eq, %arg0, %eq3A : i32
    %eq3A_1 = arith.constant 0 : i32
    %eq3A_2 = arith.cmpi eq, %arg1, %eq3A_1 : i32
    %and3A = arith.andi %eq3A_0, %eq3A_2 : i1
    %convert_element_type3A = arith.extui %and3A : i1 to i32
    %cond3A = arith.constant 0 : i32
    %cond3A_3 = arith.cmpi ne, %convert_element_type3A, %cond3A : i32
    scf.if %cond3A_3 {
      tpu.enqueue_dma source(%arg2 : memref<4096xf32, #tpu.memory_space<hbm>>) target(%arg9 : memref<4096xf32, #tpu.memory_space<vmem>>) target_semaphore(%arg10 : memref<!tpu.dma_semaphore, #tpu.memory_space<semaphore_mem>>)
      tpu.enqueue_dma source(%arg3 : memref<2048xi32, #tpu.memory_space<hbm>>) target(%arg7 : memref<2048xi32, #tpu.memory_space<vmem>>) target_semaphore(%arg11 : memref<!tpu.dma_semaphore, #tpu.memory_space<semaphore_mem>>)
      tpu.enqueue_dma source(%arg4 : memref<2048xi32, #tpu.memory_space<hbm>>) target(%arg8 : memref<2048xi32, #tpu.memory_space<vmem>>) target_semaphore(%arg12 : memref<!tpu.dma_semaphore, #tpu.memory_space<semaphore_mem>>)
      tpu.wait_dma2 semaphore(%arg10 : memref<!tpu.dma_semaphore, #tpu.memory_space<semaphore_mem>>) src(%arg2 : memref<4096xf32, #tpu.memory_space<hbm>>) dst(%arg9 : memref<4096xf32, #tpu.memory_space<vmem>>)
      tpu.wait_dma2 semaphore(%arg11 : memref<!tpu.dma_semaphore, #tpu.memory_space<semaphore_mem>>) src(%arg3 : memref<2048xi32, #tpu.memory_space<hbm>>) dst(%arg7 : memref<2048xi32, #tpu.memory_space<vmem>>)
      tpu.wait_dma2 semaphore(%arg12 : memref<!tpu.dma_semaphore, #tpu.memory_space<semaphore_mem>>) src(%arg4 : memref<2048xi32, #tpu.memory_space<hbm>>) dst(%arg8 : memref<2048xi32, #tpu.memory_space<vmem>>)
      %broadcast_in_dim3A = arith.constant 1.000000e+00 : f32
      %broadcast_in_dim3A_4 = vector.broadcast %broadcast_in_dim3A : f32 to vector<16xf32>
      %broadcast_in_dim3A_5 = arith.constant -1.000000e+00 : f32
      %broadcast_in_dim3A_6 = vector.broadcast %broadcast_in_dim3A_5 : f32 to vector<16xf32>
      %parallel_loop3A = arith.constant 0 : i32
      %parallel_loop3A_7 = arith.constant 2048 : i32
      %parallel_loop3A_8 = arith.constant 16 : i32
      scf.for %parallel_loop3A_12 = %parallel_loop3A to %parallel_loop3A_7 step %parallel_loop3A_8  : i32 {
        %parallel_loop3A_13 = arith.index_cast %parallel_loop3A_12 : i32 to index
        %parallel_loop3A_14 = tpu.vector_load %arg7[%parallel_loop3A_13] {strides = array<i32>} : memref<2048xi32, #tpu.memory_space<vmem>>, vector<16xi32>,
        %parallel_loop3A_15 = arith.index_cast %parallel_loop3A_12 : i32 to index
        %parallel_loop3A_16 = tpu.vector_load %arg8[%parallel_loop3A_15] {strides = array<i32>} : memref<2048xi32, #tpu.memory_space<vmem>>, vector<16xi32>,
        %parallel_loop3A_17 = arith.constant 1 : i32
        %parallel_loop3A_18 = vector.broadcast %parallel_loop3A_17 : i32 to vector<16xi32>
        %parallel_loop3A_19 = arith.cmpi eq, %parallel_loop3A_16, %parallel_loop3A_18 : vector<16xi32>
        tpu.vector_store_idx %arg9[%parallel_loop3A_14], %broadcast_in_dim3A_4 masked %parallel_loop3A_19 : memref<4096xf32, #tpu.memory_space<vmem>>[vector<16xi32>], vector<16xf32>, vector<16xi1>
      } {sc.loop_unroll_factor = 4 : i64, sc.parallel_access}
      %parallel_loop3A_9 = arith.constant 0 : i32
      %parallel_loop3A_10 = arith.constant 2048 : i32
      %parallel_loop3A_11 = arith.constant 16 : i32
      scf.for %parallel_loop3A_12 = %parallel_loop3A_9 to %parallel_loop3A_10 step %parallel_loop3A_11  : i32 {
        %parallel_loop3A_13 = arith.index_cast %parallel_loop3A_12 : i32 to index
        %parallel_loop3A_14 = tpu.vector_load %arg7[%parallel_loop3A_13] {strides = array<i32>} : memref<2048xi32, #tpu.memory_space<vmem>>, vector<16xi32>,
        %parallel_loop3A_15 = arith.index_cast %parallel_loop3A_12 : i32 to index
        %parallel_loop3A_16 = tpu.vector_load %arg8[%parallel_loop3A_15] {strides = array<i32>} : memref<2048xi32, #tpu.memory_space<vmem>>, vector<16xi32>,
        %parallel_loop3A_17 = arith.constant 1 : i32
        %parallel_loop3A_18 = vector.broadcast %parallel_loop3A_17 : i32 to vector<16xi32>
        %parallel_loop3A_19 = arith.cmpi ne, %parallel_loop3A_16, %parallel_loop3A_18 : vector<16xi32>
        tpu.vector_store_idx %arg9[%parallel_loop3A_14], %broadcast_in_dim3A_6 masked %parallel_loop3A_19 : memref<4096xf32, #tpu.memory_space<vmem>>[vector<16xi32>], vector<16xf32>, vector<16xi1>
      } {sc.loop_unroll_factor = 4 : i64, sc.parallel_access}
      tpu.enqueue_dma source(%arg9 : memref<4096xf32, #tpu.memory_space<vmem>>) target(%arg5 : memref<4096xf32, #tpu.memory_space<hbm>>) target_semaphore(%arg10 : memref<!tpu.dma_semaphore, #tpu.memory_space<semaphore_mem>>)
      tpu.enqueue_dma source(%arg9 : memref<4096xf32, #tpu.memory_space<vmem>>) target(%arg6 : memref<4096xf32, #tpu.memory_space<hbm>>) target_semaphore(%arg11 : memref<!tpu.dma_semaphore, #tpu.memory_space<semaphore_mem>>)
      tpu.wait_dma2 semaphore(%arg10 : memref<!tpu.dma_semaphore, #tpu.memory_space<semaphore_mem>>) src(%arg9 : memref<4096xf32, #tpu.memory_space<vmem>>) dst(%arg5 : memref<4096xf32, #tpu.memory_space<hbm>>)
      tpu.wait_dma2 semaphore(%arg11 : memref<!tpu.dma_semaphore, #tpu.memory_space<semaphore_mem>>) src(%arg9 : memref<4096xf32, #tpu.memory_space<vmem>>) dst(%arg6 : memref<4096xf32, #tpu.memory_space<hbm>>)
    } else {
    }
    return
  }
}

</mosaic_0001>

<sc_bundles>
// kernel: kernel.3.cloned.1.call-start
scs
__scs_entry_jumppad:
0x0: {  	(pc) =	sbr.rel $0x88, $3  }
0x1: {  	(tag) =	ssettag $0x0;
	lr =	simm.s32 $0x1  }
0x2: {  	[smem:$0x3F9F] =	sst lr;
	_ =	strace $0xD0000000  }
0x3: {  	_ = 	snop  }
0x4: {  	_ = 	snop  }
0x5: {  	_ = 	snop  }
0x6: {  	_ = 	snop  }
0x7: {  	_ = 	snop  }
__scs_overlays_trampoline_lowered:
0x8: {  	[smem:$0x3FAE] =	sst s0  }
0x9: {  	[smem:$0x3FAF] =	sst s1  }
0xa: {  	[smem:$0x3FB0] =	sst s2  }
0xb: {  	[smem:$0x3FB1] =	sst s3  }
0xc: {  	[smem:$0x3FB2] =	sst s4  }
0xd: {  	[smem:$0x3FB3] =	sst s5  }
0xe: {  	[smem:$0x3FB4] =	sst s6  }
0xf: {  	[smem:$0x3FB5] =	sst s7  }
0x10: {  	[smem:$0x3FB6] =	sst s8  }
0x11: {  	[smem:$0x3FB7] =	sst s9;
	s0 =	simm.s32 @!p0 $0x0  }
0x12: {  	s1 =	sld [smem:$0x3F9D];
	s0 =	simm.s32 @p0 $0x1  }
0x13: {  	[smem:$0x3FB8] =	sst s0;
	s0 =	simm.s32 @!p1 $0x0  }
0x14: {  	s2 =	sld [smem:$0x3F9C];
	s0 =	simm.s32 @p1 $0x1  }
0x15: {  	[smem:$0x3FB9] =	sst s0;
	s0 =	simm.s32 @!p2 $0x0  }
0x16: {  	s3 =	sld [smem:$0x3FDB];
	s0 =	simm.s32 @p2 $0x1  }
0x17: {  	s4 =	simm.s32 $0x1BF5;
	[smem:$0x3FBB] =	sst s0  }
0x18: {  	s0 =	sld [smem:$0x3F9E];
	_ =	swait.ge [sflag:s4], $0x0  }
0x19: {  	s7 =	sld [smem:$0x3F9F]  }
0x1a: {  	s8 =	sadd.s32 $0xFFFFE003, lr  }
0x1b: {  	s9 =	sadd.s32 $0xFFFFFEF7, lr;
	s5 =	simm.s32 $0xFFFFFFFF;
	p2 =	slt.u32 s8, $0xFFFFF086  }
0x1c: {  	p1 =	slt.u32 s9, $0xF7A;
	s5 =	simm.s32 @!p2 $0x0  }
0x1d: {  	s5 =	simm.s32 @p1 $0x1;
	p0 =	seq.s32 s7, s2  }
0x1e: {  	s7 =	smul.u32 @!p0 $0xF7A, s2;
	p2 =	seq.s32 @!p0 s5, $0x0  }
0x1f: {  	s9 =	smul.u32 $0xF7A, s1;
	s8 =	simm.s32 @!p0 $0x1BF5;
	p2 =	por !p2, p0  }
0x20: {  	[sflag:s8] =	ssyncset.s32 @!p0 $0xFFFFF086;
	s6 =	sadd.s32 @!p0 s3, s7;
	s7 =	simm.s32 @!p0 $0x108  }
0x21: {  	s3 =	sadd.s32 s3, s9;
	s6 =	sadd.s32 @!p0 $0x88, s6;
	s7 =	simm.s32 @p2 $0x1082  }
0x22: {  	[simem:s7], [sflag:s8] =	dma.local @!p0 [hbm:s6], $0xF7A  }
0x23: {  	s9 =	sor.u32 $0xD0000000, s2;
	s6 =	simm.s32 $0x108;
	_ =	swait.ge @!p0 [sflag:s8], $0x0  }
0x24: {  	s3 =	sadd.s32 $0x88, s3;
	s6 =	simm.s32 @!p1 $0x1082;
	[sflag:s4] =	ssyncset.s32 $0xFFFFF086  }
0x25: {  	[simem:s6], [sflag:s4] =	dma.local [hbm:s3], $0xF7A  }
0x26: {  	[smem:$0x3F9F] =	sst s1;
	(tag) =	ssettag s2;
	_ =	strace s9  }
0x27: {  	s1 =	sld [smem:$0x3FAF]  }
0x28: {  	s2 =	sld [smem:$0x3FB0]  }
0x29: {  	s4 =	sld [smem:$0x3FB2]  }
0x2a: {  	p0 =	seq.s32 s5, $0x0;
	s5 =	sld [smem:$0x3FB3]  }
0x2b: {  	s6 =	sld [smem:$0x3FB4]  }
0x2c: {  	s7 =	sld [smem:$0x3FB5]  }
0x2d: {  	s3 =	simm.s32 $0x108;
	s8 =	sld [smem:$0x3FB6]  }
0x2e: {  	s3 =	simm.s32 @!p0 $0x1082;
	s9 =	sld [smem:$0x3FB7]  }
0x2f: {  	lr =	sadd.s32 s0, s3;
	s0 =	sld [smem:$0x3FAE]  }
0x30: {  	s3 =	sld [smem:$0x3FB1]  }
0x31: {  	[smem:$0x3FBA] =	sst s10  }
0x32: {  	s10 =	sld [smem:$0x3FB8];
	_ =	sdelay $0x3  }
0x33: {  	p0 =	seq.s32 s10, $0x1;
	s10 =	sld [smem:$0x3FBA];
	_ =	sdelay $0x3  }
0x34: {  	[smem:$0x3FBA] =	sst s10  }
0x35: {  	s10 =	sld [smem:$0x3FB9];
	_ =	sdelay $0x3  }
0x36: {  	p1 =	seq.s32 s10, $0x1;
	s10 =	sld [smem:$0x3FBA];
	_ =	sdelay $0x3  }
0x37: {  	[smem:$0x3FBA] =	sst s10  }
0x38: {  	s10 =	sld [smem:$0x3FBB]  }
0x39: {  	_ = 	snop;
	(pc) =	sbr.ind lr, $3  }
0x3a: {  	_ = 	snop  }
0x3b: {  	_ = 	snop  }
0x3c: {  	p2 =	seq.s32 s10, $0x1;
	s10 =	sld [smem:$0x3FBA]  }
0x3d: {  	_ =	shalt  }
0x3e: {  	_ =	shalt  }
0x3f: {  	_ =	shalt  }
0x40: {  	_ =	shalt  }
0x41: {  	_ =	shalt  }
0x42: {  	_ =	shalt  }
0x43: {  	_ =	shalt  }
0x44: {  	_ =	shalt  }
0x45: {  	_ =	shalt  }
0x46: {  	_ =	shalt  }
0x47: {  	_ =	shalt  }
0x48: {  	_ =	shalt  }
0x49: {  	_ =	shalt  }
0x4a: {  	_ =	shalt  }
0x4b: {  	_ =	shalt  }
0x4c: {  	_ =	shalt  }
0x4d: {  	_ =	shalt  }
0x4e: {  	_ =	shalt  }
0x4f: {  	_ =	shalt  }
0x50: {  	_ =	shalt  }
0x51: {  	_ =	shalt  }
0x52: {  	_ =	shalt  }
0x53: {  	_ =	shalt  }
0x54: {  	_ =	shalt  }
0x55: {  	_ =	shalt  }
0x56: {  	_ =	shalt  }
0x57: {  	_ =	shalt  }
0x58: {  	_ =	shalt  }
0x59: {  	_ =	shalt  }
0x5a: {  	_ =	shalt  }
0x5b: {  	_ =	shalt  }
0x5c: {  	_ =	shalt  }
0x5d: {  	_ =	shalt  }
0x5e: {  	_ =	shalt  }
0x5f: {  	_ =	shalt  }
0x60: {  	_ =	shalt  }
0x61: {  	_ =	shalt  }
0x62: {  	_ =	shalt  }
0x63: {  	_ =	shalt  }
0x64: {  	_ =	shalt  }
0x65: {  	_ =	shalt  }
0x66: {  	_ =	shalt  }
0x67: {  	_ =	shalt  }
0x68: {  	_ =	shalt  }
0x69: {  	_ =	shalt  }
0x6a: {  	_ =	shalt  }
0x6b: {  	_ =	shalt  }
0x6c: {  	_ =	shalt  }
0x6d: {  	_ =	shalt  }
0x6e: {  	_ =	shalt  }
0x6f: {  	_ =	shalt  }
0x70: {  	_ =	shalt  }
0x71: {  	_ =	shalt  }
0x72: {  	_ =	shalt  }
0x73: {  	_ =	shalt  }
0x74: {  	_ =	shalt  }
0x75: {  	_ =	shalt  }
0x76: {  	_ =	shalt  }
0x77: {  	_ =	shalt  }
0x78: {  	_ =	shalt  }
0x79: {  	_ =	shalt  }
0x7a: {  	_ =	shalt  }
0x7b: {  	_ =	shalt  }
0x7c: {  	_ =	shalt  }
0x7d: {  	_ =	shalt  }
0x7e: {  	_ =	shalt  }
0x7f: {  	_ =	shalt  }
0x80: {  	_ =	shalt  }
0x81: {  	_ =	shalt  }
0x82: {  	_ =	shalt  }
0x83: {  	_ =	shalt  }
0x84: {  	_ =	shalt  }
0x85: {  	_ =	shalt  }
0x86: {  	_ =	shalt  }
0x87: {  	_ =	shalt  }
.Lfunc_end0:
.L_simem_size_0:
called_computation_lowered:
.L_overlay_start_0:
0x88: {  	s0 =	sld [smem:$0x3FD9]  }
0x89: {  	s1 =	sld [smem:$0x3FFE];
	_ =	sdelay $0x3  }
0x8a: {  	s0 =	sadd.s32 s1, s0  }
0x8b: {  	[smem:$0x3FC6] =	sst s0  }
0x8c: {  	_ = 	snop  }
0x8d: {  	s0 =	sld [smem:$0x3FD0];
	_ =	sdelay $0x2  }
0x8e: {  	s13 =	simm.s32 $0xA;
	s2 =	simm.s32 $0x10  }
0x8f: {  	[smem:s2], [sflag:s13] =	dma.local [hbm:s0], $0x1  }
0x90: {  	_ =	swait.eq [sflag:s13], $0x1  }
0x91: {  	[sflag:s13] =	ssyncset.done $0x0  }
0x92: {  	s14 =	sld [smem:$0x10];
	[sflag:s13] =	ssyncadd.s32 $0xFFFFFFFF  }
0x93: {  	s15 =	sld [smem:$0x11];
	(tm) =	ssettm $0x1  }
0x94: {  	s16 =	sld [smem:$0x3FFB];
	_ =	sdelay $0x3  }
0x95: {  	_ =	strace s16  }
0x96: {  	s2 =	sld [smem:$0x3FFC];
	_ =	sdelay $0x3  }
0x97: {  	_ =	strace s2  }
0x98: {  	s2 =	sld [smem:$0x3FFD];
	_ =	sdelay $0x3  }
0x99: {  	_ =	strace s2  }
0x9a: {  	_ =	strace $0x8FFFFFFF  }
0x9b: {  	s17 =	sld [smem:$0x3FDB];
	_ =	sdelay $0x1  }
0x9c: {  	s3 =	simm.s32 $_scs_section_size  }
0x9d: {  	s4 =	simm.s32 $_size__tile_overlayer_lowered;
	s5 =	simm.s32 $_tile_overlayer_lowered  }
0x9e: {  	s20 =	simm.s32 $0x1BFF;
	s19 =	sshll.u32 s5, $0x1;
	s2 =	sadd.s32 s3, s17  }
0x9f: {  	s6 =	simm.s32 $0x0;
	s18 =	sshll.u32 s4, $0x1;
	s4 =	sadd.s32 s19, s2  }
0xa0: {  	[timem:s6], [sflag:s20] =	dma.local [hbm:s4], s18  }
0xa1: {  	_ =	swait.ge [sflag:s20], s18  }
0xa2: {  	s3 =	ssub.s32 $0x0, s18;
	[sflag:s20] =	ssyncset.done $0x0  }
0xa3: {  	[sflag:s20] =	ssyncadd.s32 s3;
	_ =	sdelay $0x1  }
0xa4: {  	s21 =	simm.s32 $0x1B8B  }
0xa5: {  	_ =	swait.ge [sflag:s21], $0x1  }
0xa6: {  	[sflag:s21] =	ssyncset.done $0x0  }
0xa7: {  	s23 =	simm.s32 $0x1B8E;
	s22 =	sld [smem:$0x3FFE];
	[sflag:s21] =	ssyncadd.s32 $0xFFFFFFFF  }
0xa8: {  	s24 =	simm.s32 $execute0_lowered;
	[smem:$0x3FD2] =	sst s23  }
0xa9: {  	s4 =	sshll.u32 s24, $0x1;
	_ =	strace $0x80000046;
	[dreg:$0x1] =	wrdreg $0xFFFFFFFF  }
0xaa: {  	s25 =	simm.s32 $_size_execute0_lowered;
	s2 =	sadd.s32 s2, s4;
	[dreg:$0x0] =	wrdreg $0x0  }
0xab: {  	s4 =	sshll.u32 s25, $0x1;
	[dreg:$0x2] =	wrdreg s2  }
0xac: {  	[dreg:$0x3] =	wrdreg s4  }
0xad: {  	[dreg:$0x4] =	wrdreg $0xC0  }
0xae: {  	_ =	task [dreg:s6], $0x5FFFF  }
0xaf: {  	[dreg:$0x1] =	wrdreg $0xFFFFFFFF  }
0xb0: {  	[dreg:$0x0] =	wrdreg $0x60  }
0xb1: {  	[dreg:$0x2] =	wrdreg s22  }
0xb2: {  	[dreg:$0x3] =	wrdreg s14  }
0xb3: {  	[dreg:$0x4] =	wrdreg s15  }
0xb4: {  	[dreg:$0x5] =	wrdreg $0x9  }
0xb5: {  	_ =	task.clear_ibuf [dreg:s6], $0x6FFFF;
	_ =	strace $0x90000046  }
0xb6: {  	s26 =	simm.s32 $0x9;
	_ =	strace $0x80000048  }
0xb7: {  	_ =	swait.ge [sflag:s26], $0x1  }
0xb8: {  	[sflag:s26] =	ssyncadd.s32 $0xFFFFFFFF  }
0xb9: {  	_ =	strace $0x90000048  }
0xba: {  	_ =	sfence  }
0xbb: {  	s28 =	sld [smem:$0x0];
	_ =	sdelay $0x1  }
0xbc: {  	s29 =	srdreg.scid  }
0xbd: {  	s30 =	sshll.u32 s29, $0xD;
	s31 =	sshrl.u32 s29, $0x2  }
0xbe: {  	s1 =	sand.u32 $0x1, s29;
	s2 =	sand.u32 $0x4000, s30;
	s0 =	sadd.s32 s31, s28  }
0xbf: {  	s1 =	sor.u32 s2, s1;
	s0 =	sshll.u32 s0, $0x11  }
0xc0: {  	s0 =	sor.u32 s0, s1  }
0xc1: {  	s0 =	sadd.s32 $0x8F2B, s0  }
0xc2: {  	[sflag:s0] =	ssyncadd.remote.s32 $0x1  }
0xc3: {  	_ =	sfence.sel $0xFFFF  }
0xc4: {  	[dreg:$0x0] =	wrdreg $0xFFFFFFFF;
	(pc) =	sbr.abs _section_cstart, $3  }
0xc5: {  	[dreg:$0x1] =	wrdreg $0xFFFFFFFF  }
0xc6: {  	_ =	task.clear_ibuf [dreg:s6], $0x2FFFF;
	_ =	strace $0x9FFFFFFF  }
0xc7: {  	(tm) =	ssettm $0x7FFFFFFF  }
tec
execute0_lowered:
.L_overlay_start_1:
0x0: {  	(tag) =	ssettag $0x1  }
0x1: {  	s4 =	rddreg [dreg:$0x0]  }
0x2: {  	s1 =	rddreg [dreg:$0x1]  }
0x3: {  	s2 =	rddreg [dreg:$0x2];
	s3 =	stileid.u32  }
0x4: {  	s0 =	rddreg [dreg:$0x3];
	_ =	strace $0x80000047;
	p0 =	sne.s32 s3, $0x0  }
0x5: {  	_ =	sfence.sel @p0 $0x180000  }
0x6: {  	[bflag:$0x0] =	sbarrier.arrive @p0 $0xFFFF  }
0x7: {  	_ =	strace @p0 $0x90000047  }
0x8: {  	[bflag:$0x2] =	sbarrier.arrive @p0 $0xFFFF  }
0x9: {  	_ =	shalt @p0  }
.LBB2_1:
0xa: {  	s5 =	sadd.s32 $0xC00, s4;
	s6 =	simm.s32 $0x0;
	s3 =	simm.s32 $0x1000  }
0xb: {  	[tilespmem:s3], [sflag:$0x1] =	stream.linear.gather [hbm4b:s5+s6], $0x1000, $0x38;
	[tilespmem:$0x2000] =	vst v63  }
0xc: {  	s22 =	sadd.s32 $0x1000, s4  }
0xd: {  	[tilespmem:s6], [sflag:$0x2] =	stream.linear.gather [hbm4b:s22+s6], $0x800, $0x38;
	[tilespmem:$0x2000] =	vst v63  }
0xe: {  	s23 =	sadd.s32 $0xE00, s4;
	s24 =	simm.s32 $0x800;
	s25 =	simm.s32 $0x1  }
0xf: {  	[tilespmem:s24], [sflag:$0x3] =	stream.linear.gather [hbm4b:s23+s6], $0x800, $0x38;
	[tilespmem:$0x2000] =	vst v63  }
0x10: {  	_ =	swait.ge [sflag:s25], $0x1000  }
0x11: {  	[sflag:s25] =	ssyncset.done $0x0  }
0x12: {  	s26 =	simm.s32 $0x2;
	[sflag:s25] =	ssyncadd.s32 $0xFFFFF000  }
0x13: {  	_ =	swait.ge [sflag:s26], $0x800  }
0x14: {  	[sflag:s26] =	ssyncset.done $0x0  }
0x15: {  	s28 =	simm.s32 $0x3;
	[sflag:s26] =	ssyncadd.s32 $0xFFFFF800  }
0x16: {  	_ =	swait.ge [sflag:s28], $0x800  }
0x17: {  	[sflag:s28] =	ssyncset.done $0x0  }
0x18: {  	s29 =	simm.s32 $0x820;
	[sflag:s28] =	ssyncadd.s32 $0xFFFFF800  }
0x19: {  	v0 =	vld [tilespmem:s29+$0x10];
	_ =	sdelay $0x1  }
0x1a: {  	s30 =	simm.s32 $0x20;
	v3 =	vld [tilespmem:s29+$0xFFFFFFF0]  }
0x1b: {  	v4 =	vld [tilespmem:s30+$0x10]  }
0x1c: {  	v2 =	vld [tilespmem:s29+$0xFFFFFFE0]  }
0x1d: {  	v6 =	vld [tilespmem:s29+$0x0];
	vm0 =	veq.s32 v0, $0x1  }
0x1e: {  	v7 =	vld [tilespmem:s30+$0xFFFFFFF0]  }
0x1f: {  	v1 =	vld [tilespmem:s30+$0x0]  }
0x20: {  	s31 =	simm.s32 $0x860;
	v8 =	vld [tilespmem:s30+$0xFFFFFFE0];
	vm2 =	veq.s32 v3, $0x1  }
0x21: {  	v9 =	vld [tilespmem:s31+$0x10];
	vm1 =	veq.s32 v2, $0x1  }
0x22: {  	v10 =	vld [tilespmem:s31+$0xFFFFFFE0];
	v0 =	vimm.f32 $1.000000000e+00;
	vm1 =	vmmov vm1  }
0x23: {  	s4 =	simm.s32 $0x60;
	v11 =	vld [tilespmem:s31+$0xFFFFFFF0];
	[tilespmem:v4+s3+$0x0] =	vst.idx.msk vm0, v0;
	vm0 =	veq.s32 v6, $0x1  }
0x24: {  	v2 =	vld [tilespmem:s4+$0x10]  }
0x25: {  	v5 =	vld [tilespmem:s31+$0x0]  }
0x26: {  	v3 =	vld [tilespmem:s4+$0xFFFFFFF0];
	[tilespmem:v7+s3+$0x0] =	vst.idx.msk vm2, v0;
	vm2 =	veq.s32 v9, $0x1  }
0x27: {  	vm4 =	veq.s32 v10, $0x1;
	v6 =	vld [tilespmem:s4+$0x0]  }
0x28: {  	s5 =	simm.s32 $0x40;
	s6 =	simm.s32 $0x8A0;
	vm3 =	veq.s32 v11, $0x1;
	v4 =	vld [tilespmem:s4+$0xFFFFFFE0];
	[tilespmem:v8+s3+$0x0] =	vst.idx.msk vm1, v0;
	vm1 =	vmmov vm4  }
.LBB2_2:
0x29: {  	v7 =	vld [tilespmem:s6+$0x10];
	s5 =	sadd.s32 $0x40, s5;
	[tilespmem:v1+s3+$0x0] =	vst.idx.msk vm0, v0  }
0x2a: {  	v8 =	vld [tilespmem:s6+$0xFFFFFFE0];
	p0 =	slt.u32 s5, $0x7C0;
	vm0 =	veq.s32 v5, $0x1  }
0x2b: {  	s4 =	sadd.s32 $0x40, s4;
	v9 =	vld [tilespmem:s6+$0xFFFFFFF0]  }
.Ltmp0:
0x2c: {  	[tilespmem:v2+s3+$0x0] =	vst.idx.msk vm2, v0;
	v2 =	vld [tilespmem:s4+$0x10];
	v1 =	vmov v6;
	(pc) =	sbr.rel @p0 .LBB2_2-.Ltmp0, $4  }
0x2d: {  	v5 =	vld [tilespmem:s6+$0x0]  }
0x2e: {  	vm2 =	veq.s32 v7, $0x1;
	[tilespmem:v3+s3+$0x0] =	vst.idx.msk vm3, v0;
	v3 =	vld [tilespmem:s4+$0xFFFFFFF0]  }
0x2f: {  	vm4 =	veq.s32 v8, $0x1;
	v6 =	vld [tilespmem:s4+$0x0]  }
0x30: {  	s6 =	sadd.s32 $0x40, s6;
	vm3 =	veq.s32 v9, $0x1;
	[tilespmem:v4+s3+$0x0] =	vst.idx.msk vm1, v0;
	v4 =	vld [tilespmem:s4+$0xFFFFFFE0];
	vm1 =	vmmov vm4  }
0x31: {  	_ =	sdelay $0x2  }
0x32: {  	vm4 =	veq.s32 v5, $0x1;
	_ =	sdelay $0x1  }
0x33: {  	[tilespmem:v1+s3+$0x0] =	vst.idx.msk vm0, v0  }
0x34: {  	[tilespmem:v2+s3+$0x0] =	vst.idx.msk vm2, v0  }
0x35: {  	[tilespmem:v3+s3+$0x0] =	vst.idx.msk vm3, v0  }
0x36: {  	[tilespmem:v4+s3+$0x0] =	vst.idx.msk vm1, v0  }
0x37: {  	s31 =	simm.s32 $0x820;
	[tilespmem:v6+s3+$0x0] =	vst.idx.msk vm4, v0  }
0x38: {  	v0 =	vld [tilespmem:s31+$0x10];
	_ =	sdelay $0x1  }
0x39: {  	s4 =	simm.s32 $0x20;
	v3 =	vld [tilespmem:s31+$0xFFFFFFF0]  }
0x3a: {  	v4 =	vld [tilespmem:s4+$0x10]  }
0x3b: {  	v2 =	vld [tilespmem:s31+$0xFFFFFFE0]  }
0x3c: {  	v6 =	vld [tilespmem:s31+$0x0];
	vm0 =	vne.s32 v0, $0x1  }
0x3d: {  	v7 =	vld [tilespmem:s4+$0xFFFFFFF0]  }
0x3e: {  	v1 =	vld [tilespmem:s4+$0x0]  }
0x3f: {  	s5 =	simm.s32 $0x860;
	v8 =	vld [tilespmem:s4+$0xFFFFFFE0];
	vm2 =	vne.s32 v3, $0x1  }
0x40: {  	v9 =	vld [tilespmem:s5+$0x10];
	vm1 =	vne.s32 v2, $0x1  }
0x41: {  	s3 =	simm.s32 $0x1000;
	v10 =	vld [tilespmem:s5+$0xFFFFFFE0];
	v0 =	vimm.f32 $-1.000000000e+00;
	vm1 =	vmmov vm1  }
0x42: {  	v11 =	vld [tilespmem:s5+$0xFFFFFFF0];
	s4 =	simm.s32 $0x60;
	[tilespmem:v4+s3+$0x0] =	vst.idx.msk vm0, v0;
	vm0 =	vne.s32 v6, $0x1  }
0x43: {  	v2 =	vld [tilespmem:s4+$0x10]  }
0x44: {  	v5 =	vld [tilespmem:s5+$0x0]  }
0x45: {  	v3 =	vld [tilespmem:s4+$0xFFFFFFF0];
	[tilespmem:v7+s3+$0x0] =	vst.idx.msk vm2, v0;
	vm2 =	vne.s32 v9, $0x1  }
0x46: {  	vm4 =	vne.s32 v10, $0x1;
	v6 =	vld [tilespmem:s4+$0x0]  }
0x47: {  	s6 =	simm.s32 $0x8A0;
	s5 =	simm.s32 $0x40;
	vm3 =	vne.s32 v11, $0x1;
	v4 =	vld [tilespmem:s4+$0xFFFFFFE0];
	[tilespmem:v8+s3+$0x0] =	vst.idx.msk vm1, v0;
	vm1 =	vmmov vm4  }
.LBB2_4:
0x48: {  	v7 =	vld [tilespmem:s6+$0x10];
	s5 =	sadd.s32 $0x40, s5;
	[tilespmem:v1+s3+$0x0] =	vst.idx.msk vm0, v0  }
0x49: {  	v8 =	vld [tilespmem:s6+$0xFFFFFFE0];
	p0 =	slt.u32 s5, $0x7C0;
	vm0 =	vne.s32 v5, $0x1  }
0x4a: {  	s4 =	sadd.s32 $0x40, s4;
	v9 =	vld [tilespmem:s6+$0xFFFFFFF0]  }
.Ltmp1:
0x4b: {  	[tilespmem:v2+s3+$0x0] =	vst.idx.msk vm2, v0;
	v2 =	vld [tilespmem:s4+$0x10];
	v1 =	vmov v6;
	(pc) =	sbr.rel @p0 .LBB2_4-.Ltmp1, $4  }
0x4c: {  	v5 =	vld [tilespmem:s6+$0x0]  }
0x4d: {  	vm2 =	vne.s32 v7, $0x1;
	[tilespmem:v3+s3+$0x0] =	vst.idx.msk vm3, v0;
	v3 =	vld [tilespmem:s4+$0xFFFFFFF0]  }
0x4e: {  	vm4 =	vne.s32 v8, $0x1;
	v6 =	vld [tilespmem:s4+$0x0]  }
0x4f: {  	s6 =	sadd.s32 $0x40, s6;
	vm3 =	vne.s32 v9, $0x1;
	[tilespmem:v4+s3+$0x0] =	vst.idx.msk vm1, v0;
	v4 =	vld [tilespmem:s4+$0xFFFFFFE0];
	vm1 =	vmmov vm4  }
0x50: {  	_ =	sdelay $0x2  }
0x51: {  	vm4 =	vne.s32 v5, $0x1;
	_ =	sdelay $0x1  }
0x52: {  	[tilespmem:v1+s3+$0x0] =	vst.idx.msk vm0, v0  }
0x53: {  	[tilespmem:v2+s3+$0x0] =	vst.idx.msk vm2, v0  }
0x54: {  	[tilespmem:v3+s3+$0x0] =	vst.idx.msk vm3, v0  }
0x55: {  	[tilespmem:v4+s3+$0x0] =	vst.idx.msk vm1, v0  }
0x56: {  	s29 =	simm.s32 $0x0;
	s4 =	simm.s32 $0x1000;
	[tilespmem:v6+s3+$0x0] =	vst.idx.msk vm4, v0  }
0x57: {  	[hbm4b:s1+s29] =	stream.linear.scatter [tilespmem:s4], [sflag:$0x1], $0x1000, $0x38;
	[tilespmem:$0x2000] =	vst v63  }
0x58: {  	s30 =	simm.s32 $0x1  }
0x59: {  	[hbm4b:s2+s29] =	stream.linear.scatter [tilespmem:s4], [sflag:$0x2], $0x1000, $0x38;
	[tilespmem:$0x2000] =	vst v63  }
0x5a: {  	_ =	swait.ge [sflag:s30], $0x1000  }
0x5b: {  	[sflag:s30] =	ssyncset.done $0x0  }
0x5c: {  	s31 =	simm.s32 $0x2;
	[sflag:s30] =	ssyncadd.s32 $0xFFFFF000  }
0x5d: {  	_ =	swait.ge [sflag:s31], $0x1000  }
0x5e: {  	[sflag:s31] =	ssyncset.done $0x0  }
0x5f: {  	[sflag:s31] =	ssyncadd.s32 $0xFFFFF000  }
0x60: {  	_ =	sfence.sel $0x180000  }
0x61: {  	[bflag:$0x0] =	sbarrier.arrive $0xFFFF  }
0x62: {  	_ =	strace $0x90000047  }
0x63: {  	s0 =	sadd.s32 $0x100000, s0;
	[bflag:$0x2] =	sbarrier.arrive $0xFFFF  }
0x64: {  	[sflag:s0] =	ssyncadd.tile.s32 $0x1;
	_ =	shalt  }
.Lfunc_end2:
_tile_overlayer_lowered:
.L_overlay_start_2:
0x65: {  	(tag) =	ssettag $0x2  }
0x66: {  	s0 =	rddreg [dreg:$0x0];
	s2 =	stileid.u32  }
0x67: {  	s1 =	rddreg [dreg:$0x1];
	p0 =	sne.s32 s2, $0x0  }
0x68: {  	s3 =	rddreg [dreg:$0x2];
	[bflag:$0x3] =	sbarrier.arrive $0xFFFF;
	s2 =	simm.s32 @!p0 $0x1C04  }
0x69: {  	[timem:s3], [sflag:s2] =	dma.local @!p0 [hbm:s0], s1  }
0x6a: {  	s0 =	simm.s32 @!p0 $0x4  }
0x6b: {  	_ =	swait.ge @!p0 [sflag:s0], s1  }
0x6c: {  	s1 =	ssub.s32 @!p0 $0x0, s1;
	[sflag:s0] =	ssyncset.done @!p0 $0x0  }
0x6d: {  	[sflag:s0] =	ssyncadd.s32 @!p0 s1  }
0x6e: {  	[bflag:$0x3] =	sbarrier.arrive $0xFFFF  }
0x6f: {  	_ =	shalt  }

</sc_bundles>
